<compile_context>
chip_gen: v7x
topology: tpu7x:2x2x1
jax: 0.10.2.dev20260603
libtpu: 0.0.44.dev20260713+nightly
codegen_flags: <defaults>
</compile_context>

<pallas_src>
import functools

import jax
import jax.numpy as jnp
from jax import lax
from jax.experimental import pallas as pl
from jax.experimental.pallas import tpu as pltpu
from jax.experimental.pallas import tpu_sc as plsc

_N = 2048
_K = 1024
_D = 64
_TILE = 256
_NC = 2
_NS = 16
_NW = _NC * _NS
_RPW = _N // _NW


def _split_bf16(x):
    hi = x.astype(jnp.bfloat16)
    rem = x - hi.astype(jnp.float32)
    return hi, rem


def _dot(a, b):
    return jax.lax.dot_general(
        a, b, (((1,), (0,)), ((), ())),
        preferred_element_type=jnp.float32,
    )


def _topk_body(ze_ref, wt_ref, i1_ref, i2_ref):
    ze = ze_ref[...]
    wt = wt_ref[...]

    ze_hi, ze_rem = _split_bf16(ze)
    ze_lo = ze_rem.astype(jnp.bfloat16)
    wt_hi, wt_rem = _split_bf16(wt)
    wt_lo = wt_rem.astype(jnp.bfloat16)
    s = _dot(ze_hi, wt_hi) + (_dot(ze_hi, wt_lo) + _dot(ze_lo, wt_hi))

    wn = jnp.sum(wt * wt, axis=0, keepdims=True)
    zn = jnp.sum(ze * ze, axis=1, keepdims=True)
    dist = jnp.maximum((zn + wn) - 2.0 * s, 0.0)

    iota = jax.lax.broadcasted_iota(jnp.int32, dist.shape, 1)
    key = (jax.lax.bitcast_convert_type(dist, jnp.int32) & ~(_K - 1)) | iota
    k1 = jnp.min(key, axis=1, keepdims=True)
    key2 = jnp.where(key == k1, jnp.int32(0x7FFFFFFF), key)
    k2 = jnp.min(key2, axis=1, keepdims=True)
    i1_ref[...] = k1 & (_K - 1)
    i2_ref[...] = k2 & (_K - 1)


def _sc_gather_body(w_hbm, i1_hbm, i2_hbm, r1_hbm, r2_hbm,
                    i1_v, i2_v, r1_v, r2_v, sem1, sem2):
    wid = lax.axis_index("s") * _NC + lax.axis_index("c")
    base = wid * _RPW
    pltpu.sync_copy(i1_hbm.at[pl.ds(base, _RPW)], i1_v)
    pltpu.sync_copy(i2_hbm.at[pl.ds(base, _RPW)], i2_v)
    c1 = pltpu.async_copy(w_hbm.at[i1_v], r1_v, sem1)
    c2 = pltpu.async_copy(w_hbm.at[i2_v], r2_v, sem2)
    c1.wait()
    c2.wait()
    pltpu.sync_copy(r1_v, r1_hbm.at[pl.ds(base, _RPW)])
    pltpu.sync_copy(r2_v, r2_hbm.at[pl.ds(base, _RPW)])


def _select_body(ze_ref, r1_ref, r2_ref, i1_ref, i2_ref,
                 zq_ref, idx_ref, loss_ref):
    i = pl.program_id(0)
    ze = ze_ref[...]
    zq1 = r1_ref[...]
    zq2 = r2_ref[...]
    i1 = i1_ref[...]
    i2 = i2_ref[...]

    d1 = jnp.sum((zq1 - ze) ** 2, axis=1, keepdims=True)
    d2 = jnp.sum((zq2 - ze) ** 2, axis=1, keepdims=True)
    use2 = (d2 < d1) | ((d2 == d1) & (i2 < i1))

    idx_ref[...] = jnp.where(use2, i2, i1)
    zq_ref[...] = jnp.where(use2, zq2, zq1)

    part = (jnp.sum(jnp.where(use2, d2, d1)) / (_N * _D)).reshape(1, 1)

    @pl.when(i == 0)
    def _():
        loss_ref[...] = part

    @pl.when(i > 0)
    def _():
        loss_ref[...] += part


_sc_gather = functools.partial(
    pl.kernel,
    out_type=[
        jax.ShapeDtypeStruct((_N, _D), jnp.float32),
        jax.ShapeDtypeStruct((_N, _D), jnp.float32),
    ],
    mesh=plsc.VectorSubcoreMesh(core_axis_name="c", subcore_axis_name="s"),
    compiler_params=pltpu.CompilerParams(use_tc_tiling_on_sc=False),
    scratch_types=[
        pltpu.VMEM((_RPW,), jnp.int32),
        pltpu.VMEM((_RPW,), jnp.int32),
        pltpu.VMEM((_RPW, _D), jnp.float32),
        pltpu.VMEM((_RPW, _D), jnp.float32),
        pltpu.SemaphoreType.DMA,
        pltpu.SemaphoreType.DMA,
    ],
)(_sc_gather_body)


def kernel(ze, embedW):
    n_tiles = _N // _TILE
    i1, i2 = pl.pallas_call(
        _topk_body,
        grid=(n_tiles,),
        in_specs=[
            pl.BlockSpec((_TILE, _D), lambda i: (i, 0)),
            pl.BlockSpec((_D, _K), lambda i: (0, 0)),
        ],
        out_specs=[
            pl.BlockSpec((_TILE, 1), lambda i: (i, 0)),
            pl.BlockSpec((_TILE, 1), lambda i: (i, 0)),
        ],
        out_shape=[
            jax.ShapeDtypeStruct((_N, 1), jnp.int32),
            jax.ShapeDtypeStruct((_N, 1), jnp.int32),
        ],
    )(ze, embedW.T)

    r1, r2 = _sc_gather(embedW, i1.reshape(-1), i2.reshape(-1))

    zq, idx, loss = pl.pallas_call(
        _select_body,
        grid=(n_tiles,),
        in_specs=[
            pl.BlockSpec((_TILE, _D), lambda i: (i, 0)),
            pl.BlockSpec((_TILE, _D), lambda i: (i, 0)),
            pl.BlockSpec((_TILE, _D), lambda i: (i, 0)),
            pl.BlockSpec((_TILE, 1), lambda i: (i, 0)),
            pl.BlockSpec((_TILE, 1), lambda i: (i, 0)),
        ],
        out_specs=[
            pl.BlockSpec((_TILE, _D), lambda i: (i, 0)),
            pl.BlockSpec((_TILE, 1), lambda i: (i, 0)),
            pl.BlockSpec((1, 1), lambda i: (0, 0)),
        ],
        out_shape=[
            jax.ShapeDtypeStruct((_N, _D), jnp.float32),
            jax.ShapeDtypeStruct((_N, 1), jnp.int32),
            jax.ShapeDtypeStruct((1, 1), jnp.float32),
        ],
    )(ze, r1, r2, i1, i2)
    return (zq, loss.reshape(()), idx.reshape(-1))

# --- scband reference (transcript-rebuilt; emitter-appended) ---
"""Pipeline reference for scband-quantized-embedding-15118284882612 (READ-ONLY COPY).

The authoritative reference and input builder live on the scoring server;
editing this copy changes nothing except your own understanding.
"""

import jax, jax.numpy as jnp
import numpy as np


def setup_inputs(seed: int = 0) -> dict:
    key = jax.random.key(seed)
    k1, k2 = jax.random.split(key)
    ze = jax.random.normal(k1, (2048, 64), dtype=jnp.float32)
    # learned codebook buffer embedW sized per init_kwargs (num_embeddings=1024, embed_dim=64)
    embedW = jax.random.normal(k2, (1024, 64), dtype=jnp.float32)
    return {"ze": ze, "embedW": embedW}


def reference(ze, embedW):
    # dist[n, k] = || ze[n] - embedW[k] ||^2, computed via explicit broadcast as in torch
    diff = ze[:, None, :] - embedW[None, :, :]          # [N, K, d]
    dist_nk = jnp.sum(diff * diff, axis=-1)             # [N, K]
    zq_idx = jnp.argmin(dist_nk, axis=-1)               # [N]
    zq = jnp.take(embedW, zq_idx, axis=0)               # embedding lookup [N, d]
    # eval mode: EMA buffer update (update_weights) is skipped (self.training == False)
    dloss = jnp.mean((jax.lax.stop_gradient(zq) - ze) ** 2)
    zq_st = ze + jax.lax.stop_gradient(zq - ze)          # straight-through estimator
    return (zq_st, dloss, zq_idx)

if __name__ == "__main__":
    import jax
    _d = setup_inputs()
    print(jax.jit(kernel)(*tuple(_d.values())))

</pallas_src>

<mosaic_0001>
#map = affine_map<(d0, d1) -> (0, 0)>
#map1 = affine_map<(d0, d1) -> (0)>
module attributes {stable_mosaic.version = 14 : i64} {
  func.func @_sc_gather_body(%arg0: i32, %arg1: i32, %arg2: memref<1024x64xf32, #tpu.memory_space<hbm>>, %arg3: memref<2048xi32, #tpu.memory_space<hbm>>, %arg4: memref<2048xi32, #tpu.memory_space<hbm>>, %arg5: memref<2048x64xf32, #tpu.memory_space<hbm>>, %arg6: memref<2048x64xf32, #tpu.memory_space<hbm>>, %arg7: memref<64xi32, #tpu.memory_space<vmem>>, %arg8: memref<64xi32, #tpu.memory_space<vmem>>, %arg9: memref<64x64xf32, #tpu.memory_space<vmem>>, %arg10: memref<64x64xf32, #tpu.memory_space<vmem>>, %arg11: memref<!tpu.dma_semaphore, #tpu.memory_space<semaphore_mem>>, %arg12: memref<!tpu.dma_semaphore, #tpu.memory_space<semaphore_mem>>) attributes {dimension_semantics = [#tpu.dimension_semantics<core_parallel>, #tpu.dimension_semantics<subcore_parallel>], iteration_bounds = array<i64: 2, 16>, scalar_prefetch = 0 : i64, scratch_operands = 6 : i64, tpu.core_type = #tpu.core_type<sc_vector_subcore>, window_params = [{transform_indices = #map}, {transform_indices = #map1}, {transform_indices = #map1}, {transform_indices = #map}, {transform_indices = #map}]} {
    %mul3A = arith.constant 2 : i32
    %mul3A_0 = arith.muli %arg1, %mul3A : i32
    %add3A = arith.addi %mul3A_0, %arg0 : i32
    %mul3A_1 = arith.constant 64 : i32
    %mul3A_2 = arith.muli %add3A, %mul3A_1 : i32
    "tpu.region"() ({
      %run_scoped3A = tpu.sem_alloc : memref<!tpu.dma_semaphore, #tpu.memory_space<semaphore_mem>>
      %dma_start3A_13 = tpu.memref_slice %arg3[%mul3A_2] : memref<2048xi32, #tpu.memory_space<hbm>> -> memref<64xi32, #tpu.memory_space<hbm>>
      %dma_start3A_14 = tpu.memref_slice %arg3[%mul3A_2] : memref<2048xi32, #tpu.memory_space<hbm>> -> memref<64xi32, #tpu.memory_space<hbm>>
      tpu.enqueue_dma source(%dma_start3A_14 : memref<64xi32, #tpu.memory_space<hbm>>) target(%arg7 : memref<64xi32, #tpu.memory_space<vmem>>) target_semaphore(%run_scoped3A : memref<!tpu.dma_semaphore, #tpu.memory_space<semaphore_mem>>)
      %dma_wait3A_15 = tpu.memref_slice %arg3[%mul3A_2] : memref<2048xi32, #tpu.memory_space<hbm>> -> memref<64xi32, #tpu.memory_space<hbm>>
      %dma_wait3A_16 = tpu.memref_slice %arg3[%mul3A_2] : memref<2048xi32, #tpu.memory_space<hbm>> -> memref<64xi32, #tpu.memory_space<hbm>>
      tpu.wait_dma2 semaphore(%run_scoped3A : memref<!tpu.dma_semaphore, #tpu.memory_space<semaphore_mem>>) src(%dma_wait3A_16 : memref<64xi32, #tpu.memory_space<hbm>>) dst(%arg7 : memref<64xi32, #tpu.memory_space<vmem>>)
      tpu.yield
    }) : () -> ()
    "tpu.region"() ({
      %run_scoped3A = tpu.sem_alloc : memref<!tpu.dma_semaphore, #tpu.memory_space<semaphore_mem>>
      %dma_start3A_13 = tpu.memref_slice %arg4[%mul3A_2] : memref<2048xi32, #tpu.memory_space<hbm>> -> memref<64xi32, #tpu.memory_space<hbm>>
      %dma_start3A_14 = tpu.memref_slice %arg4[%mul3A_2] : memref<2048xi32, #tpu.memory_space<hbm>> -> memref<64xi32, #tpu.memory_space<hbm>>
      tpu.enqueue_dma source(%dma_start3A_14 : memref<64xi32, #tpu.memory_space<hbm>>) target(%arg8 : memref<64xi32, #tpu.memory_space<vmem>>) target_semaphore(%run_scoped3A : memref<!tpu.dma_semaphore, #tpu.memory_space<semaphore_mem>>)
      %dma_wait3A_15 = tpu.memref_slice %arg4[%mul3A_2] : memref<2048xi32, #tpu.memory_space<hbm>> -> memref<64xi32, #tpu.memory_space<hbm>>
      %dma_wait3A_16 = tpu.memref_slice %arg4[%mul3A_2] : memref<2048xi32, #tpu.memory_space<hbm>> -> memref<64xi32, #tpu.memory_space<hbm>>
      tpu.wait_dma2 semaphore(%run_scoped3A : memref<!tpu.dma_semaphore, #tpu.memory_space<semaphore_mem>>) src(%dma_wait3A_16 : memref<64xi32, #tpu.memory_space<hbm>>) dst(%arg8 : memref<64xi32, #tpu.memory_space<vmem>>)
      tpu.yield
    }) : () -> ()
    %dma_start3A = arith.constant 0 : i32
    %dma_start3A_3 = arith.constant 0 : i32
    %dma_start3A_4 = tpu.memref_slice %arg2[%dma_start3A, %dma_start3A_3] : memref<1024x64xf32, #tpu.memory_space<hbm>> -> memref<1024x64xf32, #tpu.memory_space<hbm>>
    tpu.enqueue_indirect_dma source(%dma_start3A_4 : memref<1024x64xf32, #tpu.memory_space<hbm>>) target(%arg9 : memref<64x64xf32, #tpu.memory_space<vmem>>) offsets(%arg7 : memref<64xi32, #tpu.memory_space<vmem>>) semaphore(%arg11 : memref<!tpu.dma_semaphore, #tpu.memory_space<semaphore_mem>>)
    %dma_start3A_5 = arith.constant 0 : i32
    %dma_start3A_6 = arith.constant 0 : i32
    %dma_start3A_7 = tpu.memref_slice %arg2[%dma_start3A_5, %dma_start3A_6] : memref<1024x64xf32, #tpu.memory_space<hbm>> -> memref<1024x64xf32, #tpu.memory_space<hbm>>
    tpu.enqueue_indirect_dma source(%dma_start3A_7 : memref<1024x64xf32, #tpu.memory_space<hbm>>) target(%arg10 : memref<64x64xf32, #tpu.memory_space<vmem>>) offsets(%arg8 : memref<64xi32, #tpu.memory_space<vmem>>) semaphore(%arg12 : memref<!tpu.dma_semaphore, #tpu.memory_space<semaphore_mem>>)
    %dma_wait3A = arith.constant 0 : i32
    %dma_wait3A_8 = arith.constant 0 : i32
    %dma_wait3A_9 = tpu.memref_slice %arg2[%dma_wait3A, %dma_wait3A_8] : memref<1024x64xf32, #tpu.memory_space<hbm>> -> memref<1024x64xf32, #tpu.memory_space<hbm>>
    tpu.wait_indirect_dma semaphore(%arg11 : memref<!tpu.dma_semaphore, #tpu.memory_space<semaphore_mem>>) src(%dma_wait3A_9 : memref<1024x64xf32, #tpu.memory_space<hbm>>) dst(%arg9 : memref<64x64xf32, #tpu.memory_space<vmem>>)
    %dma_wait3A_10 = arith.constant 0 : i32
    %dma_wait3A_11 = arith.constant 0 : i32
    %dma_wait3A_12 = tpu.memref_slice %arg2[%dma_wait3A_10, %dma_wait3A_11] : memref<1024x64xf32, #tpu.memory_space<hbm>> -> memref<1024x64xf32, #tpu.memory_space<hbm>>
    tpu.wait_indirect_dma semaphore(%arg12 : memref<!tpu.dma_semaphore, #tpu.memory_space<semaphore_mem>>) src(%dma_wait3A_12 : memref<1024x64xf32, #tpu.memory_space<hbm>>) dst(%arg10 : memref<64x64xf32, #tpu.memory_space<vmem>>)
    "tpu.region"() ({
      %run_scoped3A = tpu.sem_alloc : memref<!tpu.dma_semaphore, #tpu.memory_space<semaphore_mem>>
      %dma_start3A_13 = arith.constant 0 : i32
      %dma_start3A_14 = tpu.memref_slice %arg5[%mul3A_2, %dma_start3A_13] : memref<2048x64xf32, #tpu.memory_space<hbm>> -> memref<64x64xf32, #tpu.memory_space<hbm>>
      %dma_start3A_15 = arith.constant 0 : i32
      %dma_start3A_16 = tpu.memref_slice %arg5[%mul3A_2, %dma_start3A_15] : memref<2048x64xf32, #tpu.memory_space<hbm>> -> memref<64x64xf32, #tpu.memory_space<hbm>>
      tpu.enqueue_dma source(%arg9 : memref<64x64xf32, #tpu.memory_space<vmem>>) target(%dma_start3A_16 : memref<64x64xf32, #tpu.memory_space<hbm>>) target_semaphore(%run_scoped3A : memref<!tpu.dma_semaphore, #tpu.memory_space<semaphore_mem>>)
      %dma_wait3A_17 = arith.constant 0 : i32
      %dma_wait3A_18 = tpu.memref_slice %arg5[%mul3A_2, %dma_wait3A_17] : memref<2048x64xf32, #tpu.memory_space<hbm>> -> memref<64x64xf32, #tpu.memory_space<hbm>>
      %dma_wait3A_19 = arith.constant 0 : i32
      %dma_wait3A_20 = tpu.memref_slice %arg5[%mul3A_2, %dma_wait3A_19] : memref<2048x64xf32, #tpu.memory_space<hbm>> -> memref<64x64xf32, #tpu.memory_space<hbm>>
      tpu.wait_dma2 semaphore(%run_scoped3A : memref<!tpu.dma_semaphore, #tpu.memory_space<semaphore_mem>>) src(%arg9 : memref<64x64xf32, #tpu.memory_space<vmem>>) dst(%dma_wait3A_20 : memref<64x64xf32, #tpu.memory_space<hbm>>)
      tpu.yield
    }) : () -> ()
    "tpu.region"() ({
      %run_scoped3A = tpu.sem_alloc : memref<!tpu.dma_semaphore, #tpu.memory_space<semaphore_mem>>
      %dma_start3A_13 = arith.constant 0 : i32
      %dma_start3A_14 = tpu.memref_slice %arg6[%mul3A_2, %dma_start3A_13] : memref<2048x64xf32, #tpu.memory_space<hbm>> -> memref<64x64xf32, #tpu.memory_space<hbm>>
      %dma_start3A_15 = arith.constant 0 : i32
      %dma_start3A_16 = tpu.memref_slice %arg6[%mul3A_2, %dma_start3A_15] : memref<2048x64xf32, #tpu.memory_space<hbm>> -> memref<64x64xf32, #tpu.memory_space<hbm>>
      tpu.enqueue_dma source(%arg10 : memref<64x64xf32, #tpu.memory_space<vmem>>) target(%dma_start3A_16 : memref<64x64xf32, #tpu.memory_space<hbm>>) target_semaphore(%run_scoped3A : memref<!tpu.dma_semaphore, #tpu.memory_space<semaphore_mem>>)
      %dma_wait3A_17 = arith.constant 0 : i32
      %dma_wait3A_18 = tpu.memref_slice %arg6[%mul3A_2, %dma_wait3A_17] : memref<2048x64xf32, #tpu.memory_space<hbm>> -> memref<64x64xf32, #tpu.memory_space<hbm>>
      %dma_wait3A_19 = arith.constant 0 : i32
      %dma_wait3A_20 = tpu.memref_slice %arg6[%mul3A_2, %dma_wait3A_19] : memref<2048x64xf32, #tpu.memory_space<hbm>> -> memref<64x64xf32, #tpu.memory_space<hbm>>
      tpu.wait_dma2 semaphore(%run_scoped3A : memref<!tpu.dma_semaphore, #tpu.memory_space<semaphore_mem>>) src(%arg10 : memref<64x64xf32, #tpu.memory_space<vmem>>) dst(%dma_wait3A_20 : memref<64x64xf32, #tpu.memory_space<hbm>>)
      tpu.yield
    }) : () -> ()
    return
  }
}

module attributes {stable_mosaic.version = 14 : i64} {
  func.func @_topk_body(%arg0: i32, %arg1: memref<256x64xf32, #tpu.memory_space<vmem>>, %arg2: memref<64x1024xf32, #tpu.memory_space<vmem>>, %arg3: memref<256x1xi32, #tpu.memory_space<vmem>>, %arg4: memref<256x1xi32, #tpu.memory_space<vmem>>) attributes {dimension_semantics = [#tpu.dimension_semantics<arbitrary>], iteration_bounds = array<i64: 8>, scalar_prefetch = 0 : i64, scratch_operands = 0 : i64, tpu.core_type = #tpu.core_type<tc>, window_params = [{transform_indices = @transform_0, window_bounds = array<i64: 256, 64>}, {pipeline_mode = #tpu.pipeline_mode<synchronous>, transform_indices = @transform_1, window_bounds = array<i64: 64, 1024>}, {transform_indices = @transform_2, window_bounds = array<i64: 256, 1>}, {transform_indices = @transform_3, window_bounds = array<i64: 256, 1>}]} {
    %get3A = arith.constant 0 : index
    %get3A_0 = arith.constant 0 : index
    %get3A_1 = vector.load %arg1[%get3A, %get3A_0] : memref<256x64xf32, #tpu.memory_space<vmem>>, vector<256x64xf32>
    %get3A_2 = arith.constant 0 : index
    %get3A_3 = arith.constant 0 : index
    %get3A_4 = vector.load %arg2[%get3A_2, %get3A_3] : memref<64x1024xf32, #tpu.memory_space<vmem>>, vector<64x1024xf32>
    %convert_element_type3A = arith.truncf %get3A_1 : vector<256x64xf32> to vector<256x64xbf16>
    %convert_element_type3A_5 = arith.extf %convert_element_type3A : vector<256x64xbf16> to vector<256x64xf32>
    %sub3A = arith.subf %get3A_1, %convert_element_type3A_5 : vector<256x64xf32>
    %convert_element_type3A_6 = arith.truncf %sub3A : vector<256x64xf32> to vector<256x64xbf16>
    %convert_element_type3A_7 = arith.truncf %get3A_4 : vector<64x1024xf32> to vector<64x1024xbf16>
    %convert_element_type3A_8 = arith.extf %convert_element_type3A_7 : vector<64x1024xbf16> to vector<64x1024xf32>
    %sub3A_9 = arith.subf %get3A_4, %convert_element_type3A_8 : vector<64x1024xf32>
    %convert_element_type3A_10 = arith.truncf %sub3A_9 : vector<64x1024xf32> to vector<64x1024xbf16>
    %dot_general3A = arith.constant dense<0.000000e+00> : vector<256x1024xf32>
    %dot_general3A_11 = tpu.matmul %convert_element_type3A, %convert_element_type3A_7, %dot_general3A {dimension_numbers = #tpu.dot_dimension_numbers<[1], [0], [0], [1], [0, 0, 1, 1], [], []>, transpose_lhs_hint = false} : vector<256x64xbf16>, vector<64x1024xbf16>, vector<256x1024xf32> -> vector<256x1024xf32>
    %dot_general3A_12 = arith.constant dense<0.000000e+00> : vector<256x1024xf32>
    %dot_general3A_13 = tpu.matmul %convert_element_type3A, %convert_element_type3A_10, %dot_general3A_12 {dimension_numbers = #tpu.dot_dimension_numbers<[1], [0], [0], [1], [0, 0, 1, 1], [], []>, transpose_lhs_hint = false} : vector<256x64xbf16>, vector<64x1024xbf16>, vector<256x1024xf32> -> vector<256x1024xf32>
    %dot_general3A_14 = arith.constant dense<0.000000e+00> : vector<256x1024xf32>
    %dot_general3A_15 = tpu.matmul %convert_element_type3A_6, %convert_element_type3A_7, %dot_general3A_14 {dimension_numbers = #tpu.dot_dimension_numbers<[1], [0], [0], [1], [0, 0, 1, 1], [], []>, transpose_lhs_hint = false} : vector<256x64xbf16>, vector<64x1024xbf16>, vector<256x1024xf32> -> vector<256x1024xf32>
    %add3A = arith.addf %dot_general3A_13, %dot_general3A_15 : vector<256x1024xf32>
    %add3A_16 = arith.addf %dot_general3A_11, %add3A : vector<256x1024xf32>
    %mul3A = arith.mulf %get3A_4, %get3A_4 : vector<64x1024xf32>
    %reduce_sum3A = arith.constant dense<0.000000e+00> : vector<1024xf32>
    %reduce_sum3A_17 = vector.multi_reduction <add>, %mul3A, %reduce_sum3A [0] : vector<64x1024xf32> to vector<1024xf32>
    %broadcast_in_dim3A = vector.shape_cast %reduce_sum3A_17 : vector<1024xf32> to vector<1x1024xf32>
    %mul3A_18 = arith.mulf %get3A_1, %get3A_1 : vector<256x64xf32>
    %reduce_sum3A_19 = arith.constant dense<0.000000e+00> : vector<256xf32>
    %reduce_sum3A_20 = vector.multi_reduction <add>, %mul3A_18, %reduce_sum3A_19 [1] : vector<256x64xf32> to vector<256xf32>
    %broadcast_in_dim3A_21 = vector.shape_cast %reduce_sum3A_20 : vector<256xf32> to vector<256x1xf32>
    %add3A_22 = vector.broadcast %broadcast_in_dim3A_21 : vector<256x1xf32> to vector<256x1024xf32>
    %add3A_23 = vector.broadcast %broadcast_in_dim3A : vector<1x1024xf32> to vector<256x1024xf32>
    %add3A_24 = arith.addf %add3A_22, %add3A_23 : vector<256x1024xf32>
    %mul3A_25 = arith.constant 2.000000e+00 : f32
    %mul3A_26 = vector.broadcast %mul3A_25 : f32 to vector<256x1024xf32>
    %mul3A_27 = arith.mulf %mul3A_26, %add3A_16 : vector<256x1024xf32>
    %sub3A_28 = arith.subf %add3A_24, %mul3A_27 : vector<256x1024xf32>
    %max3A = arith.constant 0.000000e+00 : f32
    %max3A_29 = vector.broadcast %max3A : f32 to vector<256x1024xf32>
    %max3A_30 = arith.maximumf %sub3A_28, %max3A_29 : vector<256x1024xf32>
    %iota3A = tpu.iota {dimensions = array<i32: 1>} : vector<256x1024xi32>
    %bitcast_convert_type3A = tpu.bitcast %max3A_30 : vector<256x1024xf32> -> vector<256x1024xi32>
    %and3A = arith.constant -1024 : i32
    %and3A_31 = vector.broadcast %and3A : i32 to vector<256x1024xi32>
    %and3A_32 = arith.andi %bitcast_convert_type3A, %and3A_31 : vector<256x1024xi32>
    %or3A = arith.ori %and3A_32, %iota3A : vector<256x1024xi32>
    %reduce_min3A = arith.constant dense<2147483647> : vector<256xi32>
    %reduce_min3A_33 = vector.multi_reduction <minsi>, %or3A, %reduce_min3A [1] : vector<256x1024xi32> to vector<256xi32>
    %broadcast_in_dim3A_34 = vector.shape_cast %reduce_min3A_33 : vector<256xi32> to vector<256x1xi32>
    %eq3A = vector.broadcast %broadcast_in_dim3A_34 : vector<256x1xi32> to vector<256x1024xi32>
    %eq3A_35 = arith.cmpi eq, %or3A, %eq3A : vector<256x1024xi32>
    %jit3A = arith.constant 2147483647 : i32
    %broadcast_in_dim3A_36 = vector.broadcast %jit3A : i32 to vector<256x1024xi32>
    %select_n3A = arith.select %eq3A_35, %broadcast_in_dim3A_36, %or3A : vector<256x1024xi1>, vector<256x1024xi32>
    %reduce_min3A_37 = arith.constant dense<2147483647> : vector<256xi32>
    %reduce_min3A_38 = vector.multi_reduction <minsi>, %select_n3A, %reduce_min3A_37 [1] : vector<256x1024xi32> to vector<256xi32>
    %broadcast_in_dim3A_39 = vector.shape_cast %reduce_min3A_38 : vector<256xi32> to vector<256x1xi32>
    %and3A_40 = arith.constant 1023 : i32
    %and3A_41 = vector.broadcast %and3A_40 : i32 to vector<256x1xi32>
    %and3A_42 = arith.andi %broadcast_in_dim3A_34, %and3A_41 : vector<256x1xi32>
    %swap3A = arith.constant 0 : index
    %swap3A_43 = arith.constant 0 : index
    %swap3A_44 = vector.load %arg3[%swap3A, %swap3A_43] : memref<256x1xi32, #tpu.memory_space<vmem>>, vector<256x1xi32>
    tpu.vector_store %arg3[%swap3A, %swap3A_43], %and3A_42 {strides = array<i32>} : memref<256x1xi32, #tpu.memory_space<vmem>>, vector<256x1xi32>,
    %and3A_45 = arith.constant 1023 : i32
    %and3A_46 = vector.broadcast %and3A_45 : i32 to vector<256x1xi32>
    %and3A_47 = arith.andi %broadcast_in_dim3A_39, %and3A_46 : vector<256x1xi32>
    %swap3A_48 = arith.constant 0 : index
    %swap3A_49 = arith.constant 0 : index
    %swap3A_50 = vector.load %arg4[%swap3A_48, %swap3A_49] : memref<256x1xi32, #tpu.memory_space<vmem>>, vector<256x1xi32>
    tpu.vector_store %arg4[%swap3A_48, %swap3A_49], %and3A_47 {strides = array<i32>} : memref<256x1xi32, #tpu.memory_space<vmem>>, vector<256x1xi32>,
    return
  }
  func.func @transform_0(%arg0: i32) -> (i32, i32) {
    %c0_i32 = arith.constant 0 : i32
    %c0_i32_0 = arith.constant 0 : i32
    return %arg0, %c0_i32 : i32, i32
  }
  func.func @transform_1(%arg0: i32) -> (i32, i32) {
    %c0_i32 = arith.constant 0 : i32
    %c0_i32_0 = arith.constant 0 : i32
    %c0_i32_1 = arith.constant 0 : i32
    return %c0_i32, %c0_i32_0 : i32, i32
  }
  func.func @transform_2(%arg0: i32) -> (i32, i32) {
    %c0_i32 = arith.constant 0 : i32
    %c0_i32_0 = arith.constant 0 : i32
    return %arg0, %c0_i32 : i32, i32
  }
  func.func @transform_3(%arg0: i32) -> (i32, i32) {
    %c0_i32 = arith.constant 0 : i32
    %c0_i32_0 = arith.constant 0 : i32
    return %arg0, %c0_i32 : i32, i32
  }
}

module attributes {stable_mosaic.version = 14 : i64} {
  func.func @_select_body(%arg0: i32, %arg1: memref<256x64xf32, #tpu.memory_space<vmem>>, %arg2: memref<256x64xf32, #tpu.memory_space<vmem>>, %arg3: memref<256x64xf32, #tpu.memory_space<vmem>>, %arg4: memref<256x1xi32, #tpu.memory_space<vmem>>, %arg5: memref<256x1xi32, #tpu.memory_space<vmem>>, %arg6: memref<256x64xf32, #tpu.memory_space<vmem>>, %arg7: memref<256x1xi32, #tpu.memory_space<vmem>>, %arg8: memref<1x1xf32, #tpu.memory_space<vmem>>) attributes {dimension_semantics = [#tpu.dimension_semantics<arbitrary>], iteration_bounds = array<i64: 8>, scalar_prefetch = 0 : i64, scratch_operands = 0 : i64, tpu.core_type = #tpu.core_type<tc>, window_params = [{transform_indices = @transform_0, window_bounds = array<i64: 256, 64>}, {transform_indices = @transform_1, window_bounds = array<i64: 256, 64>}, {transform_indices = @transform_2, window_bounds = array<i64: 256, 64>}, {transform_indices = @transform_3, window_bounds = array<i64: 256, 1>}, {transform_indices = @transform_4, window_bounds = array<i64: 256, 1>}, {transform_indices = @transform_5, window_bounds = array<i64: 256, 64>}, {transform_indices = @transform_6, window_bounds = array<i64: 256, 1>}, {pipeline_mode = #tpu.pipeline_mode<synchronous>, transform_indices = @transform_7, window_bounds = array<i64: 1, 1>}]} {
    %get3A = arith.constant 0 : index
    %get3A_0 = arith.constant 0 : index
    %get3A_1 = vector.load %arg1[%get3A, %get3A_0] : memref<256x64xf32, #tpu.memory_space<vmem>>, vector<256x64xf32>
    %get3A_2 = arith.constant 0 : index
    %get3A_3 = arith.constant 0 : index
    %get3A_4 = vector.load %arg2[%get3A_2, %get3A_3] : memref<256x64xf32, #tpu.memory_space<vmem>>, vector<256x64xf32>
    %get3A_5 = arith.constant 0 : index
    %get3A_6 = arith.constant 0 : index
    %get3A_7 = vector.load %arg3[%get3A_5, %get3A_6] : memref<256x64xf32, #tpu.memory_space<vmem>>, vector<256x64xf32>
    %get3A_8 = arith.constant 0 : index
    %get3A_9 = arith.constant 0 : index
    %get3A_10 = vector.load %arg4[%get3A_8, %get3A_9] : memref<256x1xi32, #tpu.memory_space<vmem>>, vector<256x1xi32>
    %get3A_11 = arith.constant 0 : index
    %get3A_12 = arith.constant 0 : index
    %get3A_13 = vector.load %arg5[%get3A_11, %get3A_12] : memref<256x1xi32, #tpu.memory_space<vmem>>, vector<256x1xi32>
    %sub3A = arith.subf %get3A_4, %get3A_1 : vector<256x64xf32>
    %integer_pow3A = arith.mulf %sub3A, %sub3A : vector<256x64xf32>
    %reduce_sum3A = arith.constant dense<0.000000e+00> : vector<256xf32>
    %reduce_sum3A_14 = vector.multi_reduction <add>, %integer_pow3A, %reduce_sum3A [1] : vector<256x64xf32> to vector<256xf32>
    %broadcast_in_dim3A = vector.shape_cast %reduce_sum3A_14 : vector<256xf32> to vector<256x1xf32>
    %sub3A_15 = arith.subf %get3A_7, %get3A_1 : vector<256x64xf32>
    %integer_pow3A_16 = arith.mulf %sub3A_15, %sub3A_15 : vector<256x64xf32>
    %reduce_sum3A_17 = arith.constant dense<0.000000e+00> : vector<256xf32>
    %reduce_sum3A_18 = vector.multi_reduction <add>, %integer_pow3A_16, %reduce_sum3A_17 [1] : vector<256x64xf32> to vector<256xf32>
    %broadcast_in_dim3A_19 = vector.shape_cast %reduce_sum3A_18 : vector<256xf32> to vector<256x1xf32>
    %lt3A = arith.cmpf olt, %broadcast_in_dim3A_19, %broadcast_in_dim3A : vector<256x1xf32>
    %eq3A = arith.cmpf oeq, %broadcast_in_dim3A_19, %broadcast_in_dim3A : vector<256x1xf32>
    %lt3A_20 = arith.cmpi slt, %get3A_13, %get3A_10 : vector<256x1xi32>
    %and3A = arith.andi %eq3A, %lt3A_20 : vector<256x1xi1>
    %or3A = arith.ori %lt3A, %and3A : vector<256x1xi1>
    %select_n3A = arith.select %or3A, %get3A_13, %get3A_10 : vector<256x1xi1>, vector<256x1xi32>
    %swap3A = arith.constant 0 : index
    %swap3A_21 = arith.constant 0 : index
    %swap3A_22 = vector.load %arg7[%swap3A, %swap3A_21] : memref<256x1xi32, #tpu.memory_space<vmem>>, vector<256x1xi32>
    tpu.vector_store %arg7[%swap3A, %swap3A_21], %select_n3A {strides = array<i32>} : memref<256x1xi32, #tpu.memory_space<vmem>>, vector<256x1xi32>,
    %broadcast_in_dim3A_23 = vector.shape_cast %or3A : vector<256x1xi1> to vector<256x1xi1>
    %broadcast_in_dim3A_24 = vector.broadcast %broadcast_in_dim3A_23 : vector<256x1xi1> to vector<256x64xi1>
    %select_n3A_25 = arith.select %broadcast_in_dim3A_24, %get3A_7, %get3A_4 : vector<256x64xi1>, vector<256x64xf32>
    %swap3A_26 = arith.constant 0 : index
    %swap3A_27 = arith.constant 0 : index
    %swap3A_28 = vector.load %arg6[%swap3A_26, %swap3A_27] : memref<256x64xf32, #tpu.memory_space<vmem>>, vector<256x64xf32>
    tpu.vector_store %arg6[%swap3A_26, %swap3A_27], %select_n3A_25 {strides = array<i32>} : memref<256x64xf32, #tpu.memory_space<vmem>>, vector<256x64xf32>,
    %select_n3A_29 = arith.select %or3A, %broadcast_in_dim3A_19, %broadcast_in_dim3A : vector<256x1xi1>, vector<256x1xf32>
    %reduce_sum3A_30 = vector.shape_cast %select_n3A_29 : vector<256x1xf32> to vector<1x256x1xf32>
    %reduce_sum3A_31 = arith.constant dense<0.000000e+00> : vector<1xf32>
    %reduce_sum3A_32 = vector.multi_reduction <add>, %reduce_sum3A_30, %reduce_sum3A_31 [1, 2] : vector<1x256x1xf32> to vector<1xf32>
    %reduce_sum3A_33 = vector.shape_cast %reduce_sum3A_32 : vector<1xf32> to vector<1x1x1xf32>
    %reduce_sum3A_34 = vector.extract %reduce_sum3A_33[0, 0, 0] : f32 from vector<1x1x1xf32>
    %div3A = arith.constant 1.310720e+05 : f32
    %div3A_35 = arith.divf %reduce_sum3A_34, %div3A : f32
    %reshape3A = vector.broadcast %div3A_35 : f32 to vector<1x1xf32>
    %eq3A_36 = arith.constant 0 : i32
    %eq3A_37 = arith.cmpi eq, %arg0, %eq3A_36 : i32
    %convert_element_type3A = arith.extui %eq3A_37 : i1 to i32
    %cond3A = arith.constant 0 : i32
    %cond3A_38 = arith.cmpi ne, %convert_element_type3A, %cond3A : i32
    scf.if %cond3A_38 {
      %swap3A_43 = arith.constant 0 : index
      %swap3A_44 = arith.constant 0 : index
      %swap3A_45 = vector.load %arg8[%swap3A_43, %swap3A_44] : memref<1x1xf32, #tpu.memory_space<vmem>>, vector<1x1xf32>
      tpu.vector_store %arg8[%swap3A_43, %swap3A_44], %reshape3A {strides = array<i32>} : memref<1x1xf32, #tpu.memory_space<vmem>>, vector<1x1xf32>,
    } else {
    }
    %gt3A = arith.constant 0 : i32
    %gt3A_39 = arith.cmpi sgt, %arg0, %gt3A : i32
    %convert_element_type3A_40 = arith.extui %gt3A_39 : i1 to i32
    %cond3A_41 = arith.constant 0 : i32
    %cond3A_42 = arith.cmpi ne, %convert_element_type3A_40, %cond3A_41 : i32
    scf.if %cond3A_42 {
      %get3A_43 = arith.constant 0 : index
      %get3A_44 = arith.constant 0 : index
      %get3A_45 = vector.load %arg8[%get3A_43, %get3A_44] : memref<1x1xf32, #tpu.memory_space<vmem>>, vector<1x1xf32>
      %add3A = arith.addf %get3A_45, %reshape3A : vector<1x1xf32>
      %swap3A_46 = arith.constant 0 : index
      %swap3A_47 = arith.constant 0 : index
      %swap3A_48 = vector.load %arg8[%swap3A_46, %swap3A_47] : memref<1x1xf32, #tpu.memory_space<vmem>>, vector<1x1xf32>
      tpu.vector_store %arg8[%swap3A_46, %swap3A_47], %add3A {strides = array<i32>} : memref<1x1xf32, #tpu.memory_space<vmem>>, vector<1x1xf32>,
    } else {
    }
    return
  }
  func.func @transform_0(%arg0: i32) -> (i32, i32) {
    %c0_i32 = arith.constant 0 : i32
    %c0_i32_0 = arith.constant 0 : i32
    return %arg0, %c0_i32 : i32, i32
  }
  func.func @transform_1(%arg0: i32) -> (i32, i32) {
    %c0_i32 = arith.constant 0 : i32
    %c0_i32_0 = arith.constant 0 : i32
    return %arg0, %c0_i32 : i32, i32
  }
  func.func @transform_2(%arg0: i32) -> (i32, i32) {
    %c0_i32 = arith.constant 0 : i32
    %c0_i32_0 = arith.constant 0 : i32
    return %arg0, %c0_i32 : i32, i32
  }
  func.func @transform_3(%arg0: i32) -> (i32, i32) {
    %c0_i32 = arith.constant 0 : i32
    %c0_i32_0 = arith.constant 0 : i32
    return %arg0, %c0_i32 : i32, i32
  }
  func.func @transform_4(%arg0: i32) -> (i32, i32) {
    %c0_i32 = arith.constant 0 : i32
    %c0_i32_0 = arith.constant 0 : i32
    return %arg0, %c0_i32 : i32, i32
  }
  func.func @transform_5(%arg0: i32) -> (i32, i32) {
    %c0_i32 = arith.constant 0 : i32
    %c0_i32_0 = arith.constant 0 : i32
    return %arg0, %c0_i32 : i32, i32
  }
  func.func @transform_6(%arg0: i32) -> (i32, i32) {
    %c0_i32 = arith.constant 0 : i32
    %c0_i32_0 = arith.constant 0 : i32
    return %arg0, %c0_i32 : i32, i32
  }
  func.func @transform_7(%arg0: i32) -> (i32, i32) {
    %c0_i32 = arith.constant 0 : i32
    %c0_i32_0 = arith.constant 0 : i32
    %c0_i32_1 = arith.constant 0 : i32
    return %c0_i32, %c0_i32_0 : i32, i32
  }
}

</mosaic_0001>

<sc_bundles>
// kernel: kernel.5.cloned.1.call-start
scs
__scs_entry_jumppad:
0x0: {  	(pc) =	sbr.rel $0x88, $3  }
0x1: {  	(tag) =	ssettag $0x0;
	lr =	simm.s32 $0x1  }
0x2: {  	[smem:$0x3F9F] =	sst lr;
	_ =	strace $0xD0000000  }
0x3: {  	_ = 	snop  }
0x4: {  	_ = 	snop  }
0x5: {  	_ = 	snop  }
0x6: {  	_ = 	snop  }
0x7: {  	_ = 	snop  }
__scs_overlays_trampoline_lowered:
0x8: {  	[smem:$0x3FAE] =	sst s0  }
0x9: {  	[smem:$0x3FAF] =	sst s1  }
0xa: {  	[smem:$0x3FB0] =	sst s2  }
0xb: {  	[smem:$0x3FB1] =	sst s3  }
0xc: {  	[smem:$0x3FB2] =	sst s4  }
0xd: {  	[smem:$0x3FB3] =	sst s5  }
0xe: {  	[smem:$0x3FB4] =	sst s6  }
0xf: {  	[smem:$0x3FB5] =	sst s7  }
0x10: {  	[smem:$0x3FB6] =	sst s8  }
0x11: {  	[smem:$0x3FB7] =	sst s9;
	s0 =	simm.s32 @!p0 $0x0  }
0x12: {  	s1 =	sld [smem:$0x3F9D];
	s0 =	simm.s32 @p0 $0x1  }
0x13: {  	[smem:$0x3FB8] =	sst s0;
	s0 =	simm.s32 @!p1 $0x0  }
0x14: {  	s2 =	sld [smem:$0x3F9C];
	s0 =	simm.s32 @p1 $0x1  }
0x15: {  	[smem:$0x3FB9] =	sst s0;
	s0 =	simm.s32 @!p2 $0x0  }
0x16: {  	s3 =	sld [smem:$0x3FDB];
	s0 =	simm.s32 @p2 $0x1  }
0x17: {  	s4 =	simm.s32 $0x1BF5;
	[smem:$0x3FBB] =	sst s0  }
0x18: {  	s0 =	sld [smem:$0x3F9E];
	_ =	swait.ge [sflag:s4], $0x0  }
0x19: {  	s7 =	sld [smem:$0x3F9F]  }
0x1a: {  	s8 =	sadd.s32 $0xFFFFE003, lr  }
0x1b: {  	s9 =	sadd.s32 $0xFFFFFEF7, lr;
	s5 =	simm.s32 $0xFFFFFFFF;
	p2 =	slt.u32 s8, $0xFFFFF086  }
0x1c: {  	p1 =	slt.u32 s9, $0xF7A;
	s5 =	simm.s32 @!p2 $0x0  }
0x1d: {  	s5 =	simm.s32 @p1 $0x1;
	p0 =	seq.s32 s7, s2  }
0x1e: {  	s7 =	smul.u32 @!p0 $0xF7A, s2;
	p2 =	seq.s32 @!p0 s5, $0x0  }
0x1f: {  	s9 =	smul.u32 $0xF7A, s1;
	s8 =	simm.s32 @!p0 $0x1BF5;
	p2 =	por !p2, p0  }
0x20: {  	[sflag:s8] =	ssyncset.s32 @!p0 $0xFFFFF086;
	s6 =	sadd.s32 @!p0 s3, s7;
	s7 =	simm.s32 @!p0 $0x108  }
0x21: {  	s3 =	sadd.s32 s3, s9;
	s6 =	sadd.s32 @!p0 $0x88, s6;
	s7 =	simm.s32 @p2 $0x1082  }
0x22: {  	[simem:s7], [sflag:s8] =	dma.local @!p0 [hbm:s6], $0xF7A  }
0x23: {  	s9 =	sor.u32 $0xD0000000, s2;
	s6 =	simm.s32 $0x108;
	_ =	swait.ge @!p0 [sflag:s8], $0x0  }
0x24: {  	s3 =	sadd.s32 $0x88, s3;
	s6 =	simm.s32 @!p1 $0x1082;
	[sflag:s4] =	ssyncset.s32 $0xFFFFF086  }
0x25: {  	[simem:s6], [sflag:s4] =	dma.local [hbm:s3], $0xF7A  }
0x26: {  	[smem:$0x3F9F] =	sst s1;
	(tag) =	ssettag s2;
	_ =	strace s9  }
0x27: {  	s1 =	sld [smem:$0x3FAF]  }
0x28: {  	s2 =	sld [smem:$0x3FB0]  }
0x29: {  	s4 =	sld [smem:$0x3FB2]  }
0x2a: {  	p0 =	seq.s32 s5, $0x0;
	s5 =	sld [smem:$0x3FB3]  }
0x2b: {  	s6 =	sld [smem:$0x3FB4]  }
0x2c: {  	s7 =	sld [smem:$0x3FB5]  }
0x2d: {  	s3 =	simm.s32 $0x108;
	s8 =	sld [smem:$0x3FB6]  }
0x2e: {  	s3 =	simm.s32 @!p0 $0x1082;
	s9 =	sld [smem:$0x3FB7]  }
0x2f: {  	lr =	sadd.s32 s0, s3;
	s0 =	sld [smem:$0x3FAE]  }
0x30: {  	s3 =	sld [smem:$0x3FB1]  }
0x31: {  	[smem:$0x3FBA] =	sst s10  }
0x32: {  	s10 =	sld [smem:$0x3FB8];
	_ =	sdelay $0x3  }
0x33: {  	p0 =	seq.s32 s10, $0x1;
	s10 =	sld [smem:$0x3FBA];
	_ =	sdelay $0x3  }
0x34: {  	[smem:$0x3FBA] =	sst s10  }
0x35: {  	s10 =	sld [smem:$0x3FB9];
	_ =	sdelay $0x3  }
0x36: {  	p1 =	seq.s32 s10, $0x1;
	s10 =	sld [smem:$0x3FBA];
	_ =	sdelay $0x3  }
0x37: {  	[smem:$0x3FBA] =	sst s10  }
0x38: {  	s10 =	sld [smem:$0x3FBB]  }
0x39: {  	_ = 	snop;
	(pc) =	sbr.ind lr, $3  }
0x3a: {  	_ = 	snop  }
0x3b: {  	_ = 	snop  }
0x3c: {  	p2 =	seq.s32 s10, $0x1;
	s10 =	sld [smem:$0x3FBA]  }
0x3d: {  	_ =	shalt  }
0x3e: {  	_ =	shalt  }
0x3f: {  	_ =	shalt  }
0x40: {  	_ =	shalt  }
0x41: {  	_ =	shalt  }
0x42: {  	_ =	shalt  }
0x43: {  	_ =	shalt  }
0x44: {  	_ =	shalt  }
0x45: {  	_ =	shalt  }
0x46: {  	_ =	shalt  }
0x47: {  	_ =	shalt  }
0x48: {  	_ =	shalt  }
0x49: {  	_ =	shalt  }
0x4a: {  	_ =	shalt  }
0x4b: {  	_ =	shalt  }
0x4c: {  	_ =	shalt  }
0x4d: {  	_ =	shalt  }
0x4e: {  	_ =	shalt  }
0x4f: {  	_ =	shalt  }
0x50: {  	_ =	shalt  }
0x51: {  	_ =	shalt  }
0x52: {  	_ =	shalt  }
0x53: {  	_ =	shalt  }
0x54: {  	_ =	shalt  }
0x55: {  	_ =	shalt  }
0x56: {  	_ =	shalt  }
0x57: {  	_ =	shalt  }
0x58: {  	_ =	shalt  }
0x59: {  	_ =	shalt  }
0x5a: {  	_ =	shalt  }
0x5b: {  	_ =	shalt  }
0x5c: {  	_ =	shalt  }
0x5d: {  	_ =	shalt  }
0x5e: {  	_ =	shalt  }
0x5f: {  	_ =	shalt  }
0x60: {  	_ =	shalt  }
0x61: {  	_ =	shalt  }
0x62: {  	_ =	shalt  }
0x63: {  	_ =	shalt  }
0x64: {  	_ =	shalt  }
0x65: {  	_ =	shalt  }
0x66: {  	_ =	shalt  }
0x67: {  	_ =	shalt  }
0x68: {  	_ =	shalt  }
0x69: {  	_ =	shalt  }
0x6a: {  	_ =	shalt  }
0x6b: {  	_ =	shalt  }
0x6c: {  	_ =	shalt  }
0x6d: {  	_ =	shalt  }
0x6e: {  	_ =	shalt  }
0x6f: {  	_ =	shalt  }
0x70: {  	_ =	shalt  }
0x71: {  	_ =	shalt  }
0x72: {  	_ =	shalt  }
0x73: {  	_ =	shalt  }
0x74: {  	_ =	shalt  }
0x75: {  	_ =	shalt  }
0x76: {  	_ =	shalt  }
0x77: {  	_ =	shalt  }
0x78: {  	_ =	shalt  }
0x79: {  	_ =	shalt  }
0x7a: {  	_ =	shalt  }
0x7b: {  	_ =	shalt  }
0x7c: {  	_ =	shalt  }
0x7d: {  	_ =	shalt  }
0x7e: {  	_ =	shalt  }
0x7f: {  	_ =	shalt  }
0x80: {  	_ =	shalt  }
0x81: {  	_ =	shalt  }
0x82: {  	_ =	shalt  }
0x83: {  	_ =	shalt  }
0x84: {  	_ =	shalt  }
0x85: {  	_ =	shalt  }
0x86: {  	_ =	shalt  }
0x87: {  	_ =	shalt  }
.Lfunc_end0:
.L_simem_size_0:
called_computation_lowered:
.L_overlay_start_0:
0x88: {  	s2 =	sld [smem:$0x3FD9]  }
0x89: {  	s3 =	sld [smem:$0x3FFE];
	_ =	sdelay $0x1  }
0x8a: {  	s1 =	srdreg.scid  }
0x8b: {  	s0 =	sand.u32 $0x1, s1  }
0x8c: {  	s14 =	sshll.u32 s0, $0xA;
	s2 =	sadd.s32 s3, s2  }
0x8d: {  	s2 =	sadd.s32 s2, s14  }
0x8e: {  	[smem:$0x3FC6] =	sst s2  }
0x8f: {  	_ = 	snop  }
0x90: {  	s2 =	sld [smem:$0x3FD0];
	_ =	sdelay $0x2  }
0x91: {  	s15 =	simm.s32 $0xA;
	s4 =	simm.s32 $0x10  }
0x92: {  	[smem:s4], [sflag:s15] =	dma.local [hbm:s2], $0x1  }
0x93: {  	_ =	swait.eq [sflag:s15], $0x1  }
0x94: {  	[sflag:s15] =	ssyncset.done $0x0  }
0x95: {  	s16 =	sld [smem:$0x10];
	[sflag:s15] =	ssyncadd.s32 $0xFFFFFFFF  }
0x96: {  	s17 =	sld [smem:$0x12];
	(tm) =	ssettm $0x1  }
0x97: {  	s18 =	sld [smem:$0x3FFB];
	_ =	sdelay $0x3  }
0x98: {  	_ =	strace s18  }
0x99: {  	s4 =	sld [smem:$0x3FFC];
	_ =	sdelay $0x3  }
0x9a: {  	_ =	strace s4  }
0x9b: {  	s4 =	sld [smem:$0x3FFD];
	_ =	sdelay $0x3  }
0x9c: {  	_ =	strace s4  }
0x9d: {  	_ =	strace $0x8FFFFFFF  }
0x9e: {  	s19 =	sld [smem:$0x3FDB];
	_ =	sdelay $0x1  }
0x9f: {  	s5 =	simm.s32 $_scs_section_size  }
0xa0: {  	s6 =	simm.s32 $_size__tile_overlayer_lowered;
	s7 =	simm.s32 $_tile_overlayer_lowered  }
0xa1: {  	s22 =	simm.s32 $0x1BFF;
	s21 =	sshll.u32 s7, $0x1;
	s4 =	sadd.s32 s5, s19  }
0xa2: {  	s8 =	simm.s32 $0x0;
	s20 =	sshll.u32 s6, $0x1;
	s6 =	sadd.s32 s21, s4  }
0xa3: {  	[timem:s8], [sflag:s22] =	dma.local [hbm:s6], s20  }
0xa4: {  	_ =	swait.ge [sflag:s22], s20  }
0xa5: {  	s5 =	ssub.s32 $0x0, s20;
	[sflag:s22] =	ssyncset.done $0x0  }
0xa6: {  	[sflag:s22] =	ssyncadd.s32 s5;
	_ =	sdelay $0x1  }
0xa7: {  	s23 =	simm.s32 $0x1B8B  }
0xa8: {  	_ =	swait.ge [sflag:s23], $0x1  }
0xa9: {  	[sflag:s23] =	ssyncset.done $0x0  }
0xaa: {  	s25 =	simm.s32 $0x1B8E;
	s24 =	sld [smem:$0x3FFE];
	[sflag:s23] =	ssyncadd.s32 $0xFFFFFFFF  }
0xab: {  	s26 =	simm.s32 $execute0_lowered;
	[smem:$0x3FD2] =	sst s25  }
0xac: {  	s6 =	sshll.u32 s26, $0x1;
	_ =	strace $0x80000046;
	[dreg:$0x1] =	wrdreg $0xFFFFFFFF  }
0xad: {  	s28 =	simm.s32 $_size_execute0_lowered;
	s4 =	sadd.s32 s4, s6;
	[dreg:$0x0] =	wrdreg $0x0  }
0xae: {  	s6 =	sshll.u32 s28, $0x1;
	[dreg:$0x2] =	wrdreg s4  }
0xaf: {  	[dreg:$0x3] =	wrdreg s6  }
0xb0: {  	[dreg:$0x4] =	wrdreg $0xC0  }
0xb1: {  	_ =	task [dreg:s8], $0x5FFFF  }
0xb2: {  	[dreg:$0x1] =	wrdreg $0xFFFFFFFF  }
0xb3: {  	[dreg:$0x0] =	wrdreg $0x60  }
0xb4: {  	[dreg:$0x2] =	wrdreg s24  }
0xb5: {  	[dreg:$0x3] =	wrdreg s17  }
0xb6: {  	[dreg:$0x4] =	wrdreg s16  }
0xb7: {  	[dreg:$0x5] =	wrdreg $0x9  }
0xb8: {  	_ =	task.clear_ibuf [dreg:s8], $0x6FFFF;
	_ =	strace $0x90000046  }
0xb9: {  	s29 =	simm.s32 $0x9;
	_ =	strace $0x80000048  }
0xba: {  	_ =	swait.ge [sflag:s29], $0x1  }
0xbb: {  	[sflag:s29] =	ssyncadd.s32 $0xFFFFFFFF  }
0xbc: {  	_ =	strace $0x90000048  }
0xbd: {  	_ =	sfence  }
0xbe: {  	s30 =	sld [smem:$0x0];
	_ =	sdelay $0x2  }
0xbf: {  	s31 =	sshll.u32 s1, $0xD;
	s1 =	sshrl.u32 s1, $0x2  }
0xc0: {  	s3 =	sand.u32 $0x4000, s31;
	s1 =	sadd.s32 s1, s30  }
0xc1: {  	s0 =	sor.u32 s3, s0;
	s1 =	sshll.u32 s1, $0x11  }
0xc2: {  	s0 =	sor.u32 s1, s0  }
0xc3: {  	s0 =	sadd.s32 $0x8F2B, s0  }
0xc4: {  	[sflag:s0] =	ssyncadd.remote.s32 $0x1  }
0xc5: {  	_ =	sfence.sel $0xFFFF  }
0xc6: {  	[dreg:$0x0] =	wrdreg $0xFFFFFFFF;
	(pc) =	sbr.abs _section_cstart, $3  }
0xc7: {  	[dreg:$0x1] =	wrdreg $0xFFFFFFFF  }
0xc8: {  	_ =	task.clear_ibuf [dreg:s8], $0x2FFFF;
	_ =	strace $0x9FFFFFFF  }
0xc9: {  	(tm) =	ssettm $0x7FFFFFFF  }
tec
execute0_lowered:
.L_overlay_start_1:
0x0: {  	(tag) =	ssettag $0x1  }
0x1: {  	s13 =	rddreg [dreg:$0x0];
	s1 =	srdreg.scid  }
0x2: {  	s3 =	rddreg [dreg:$0x1];
	s0 =	stileid.u32;
	s12 =	sand.u32 $0x1, s1  }
0x3: {  	s14 =	rddreg [dreg:$0x2];
	s4 =	sshll.u32 s0, $0x7;
	s5 =	sshll.u32 s12, $0x6  }
0x4: {  	s2 =	simm.s32 $0x0;
	s1 =	rddreg [dreg:$0x3];
	s15 =	sor.u32 s5, s4  }
0x5: {  	[smem:$0x7FF] =	sst s2;
	s5 =	sshrl.u32 s15, $0x3  }
0x6: {  	_ =	strace $0x80000047;
	s4 =	sadd.s32 s3, s5;
	s3 =	simm.s32 $0x3  }
0x7: {  	[tilespmem:s2], [sflag:$0x3] =	stream.linear.gather [hbm4b:s4+s2], $0x40, $0x38;
	[tilespmem:$0x2080] =	vst v63  }
0x8: {  	_ =	swait.ge [sflag:s3], $0x40  }
0x9: {  	s5 =	sadd.s32 s5, s13;
	[sflag:s3] =	ssyncset.done $0x0  }
0xa: {  	s6 =	simm.s32 $0x40;
	s5 =	sadd.s32 $0x2200, s5;
	[sflag:s3] =	ssyncadd.s32 $0xFFFFFFC0  }
0xb: {  	[tilespmem:s6], [sflag:$0x3] =	stream.linear.gather [hbm4b:s5+s2], $0x40, $0x38;
	[tilespmem:$0x2080] =	vst v63  }
0xc: {  	_ =	swait.ge [sflag:s3], $0x40  }
0xd: {  	[sflag:s3] =	ssyncset.done $0x0  }
0xe: {  	s8 =	simm.s32 $0x80;
	s7 =	sadd.s32 $0x200, s13;
	[sflag:s3] =	ssyncadd.s32 $0xFFFFFFC0  }
0xf: {  	[tilespmem:s8], [sflag:$0x1] =	stream.indirect.gather [hbm4b:s7+s6], $0x40, s2, s6, $0xb8;
	[tilespmem:$0x2080] =	vst v63  }
0x10: {  	s9 =	simm.s32 $0x1080;
	s10 =	simm.s32 $0x1  }
0x11: {  	[tilespmem:s9], [sflag:$0x2] =	stream.indirect.gather [hbm4b:s7+s6], $0x40, s6, s6, $0xb8;
	[tilespmem:$0x2080] =	vst v63  }
0x12: {  	_ =	swait.ge [sflag:s10], $0x1000  }
0x13: {  	[sflag:s10] =	ssyncset.done $0x0  }
0x14: {  	s11 =	simm.s32 $0x2;
	s16 =	ssub.s32 $0x2, s12;
	[sflag:s10] =	ssyncadd.s32 $0xFFFFF000  }
0x15: {  	s31 =	sshrl.u32 s16, $0x1;
	s15 =	sshll.u32 s15, $0x3;
	_ =	swait.ge [sflag:s11], $0x1000  }
0x16: {  	s12 =	sadd.s32 s14, s15;
	s14 =	ssub.s32 s16, s31;
	[sflag:s11] =	ssyncset.done $0x0  }
0x17: {  	s14 =	smax.u32 s14, $0x1;
	[sflag:s11] =	ssyncadd.s32 $0xFFFFF000  }
0x18: {  	[hbm4b:s12+s2] =	stream.linear.scatter [tilespmem:s8], [sflag:$0x3], $0x1000, $0x38;
	[tilespmem:$0x2080] =	vst v63  }
0x19: {  	p0 =	sne.s32 s14, $0x1;
	_ =	swait.ge [sflag:s3], $0x1000  }
.Ltmp0:
0x1a: {  	s13 =	sadd.s32 s15, s13;
	[sflag:s3] =	ssyncset.done $0x0;
	(pc) =	sbr.rel @!p0 .LBB2_2-.Ltmp0, $4  }
0x1b: {  	s13 =	sadd.s32 $0x2400, s13;
	[sflag:s3] =	ssyncadd.s32 $0xFFFFF000  }
0x1c: {  	[hbm4b:s13+s2] =	stream.linear.scatter [tilespmem:s9], [sflag:$0x3], $0x1000, $0x38;
	[tilespmem:$0x2080] =	vst v63  }
0x1d: {  	_ =	swait.ge [sflag:s3], $0x1000  }
0x1e: {  	s14 =	sadd.s32 $0xFFFFFFFF, s14;
	[sflag:s3] =	ssyncset.done $0x0  }
.LBB2_1:
0x1f: {  	p0 =	sne.s32 s14, $0x1;
	s14 =	sadd.s32 $0xFFFFFFFF, s14;
	[sflag:s3] =	ssyncadd.s32 $0xFFFFF000  }
0x20: {  	[tilespmem:s2], [sflag:$0x3] =	stream.linear.gather [hbm4b:s4+s2], $0x40, $0x38;
	[tilespmem:$0x2080] =	vst v63  }
0x21: {  	_ =	swait.ge [sflag:s3], $0x40  }
0x22: {  	[sflag:s3] =	ssyncset.done $0x0  }
0x23: {  	[sflag:s3] =	ssyncadd.s32 $0xFFFFFFC0  }
0x24: {  	[tilespmem:s6], [sflag:$0x3] =	stream.linear.gather [hbm4b:s5+s2], $0x40, $0x38;
	[tilespmem:$0x2080] =	vst v63  }
0x25: {  	_ =	swait.ge [sflag:s3], $0x40  }
0x26: {  	[sflag:s3] =	ssyncset.done $0x0  }
0x27: {  	[sflag:s3] =	ssyncadd.s32 $0xFFFFFFC0  }
0x28: {  	[tilespmem:s8], [sflag:$0x1] =	stream.indirect.gather [hbm4b:s7+s6], $0x40, s2, s6, $0xb8;
	[tilespmem:$0x2080] =	vst v63  }
0x29: {  	_ = 	snop  }
0x2a: {  	[tilespmem:s9], [sflag:$0x2] =	stream.indirect.gather [hbm4b:s7+s6], $0x40, s6, s6, $0xb8;
	[tilespmem:$0x2080] =	vst v63  }
0x2b: {  	_ =	swait.ge [sflag:s10], $0x1000  }
0x2c: {  	[sflag:s10] =	ssyncset.done $0x0  }
0x2d: {  	[sflag:s10] =	ssyncadd.s32 $0xFFFFF000  }
0x2e: {  	_ =	swait.ge [sflag:s11], $0x1000  }
0x2f: {  	[sflag:s11] =	ssyncset.done $0x0  }
0x30: {  	[sflag:s11] =	ssyncadd.s32 $0xFFFFF000  }
0x31: {  	[hbm4b:s12+s2] =	stream.linear.scatter [tilespmem:s8], [sflag:$0x3], $0x1000, $0x38;
	[tilespmem:$0x2080] =	vst v63  }
0x32: {  	_ =	swait.ge [sflag:s3], $0x1000  }
.Ltmp1:
0x33: {  	[sflag:s3] =	ssyncset.done $0x0;
	(pc) =	sbr.rel @p0 .LBB2_1-.Ltmp1, $4  }
0x34: {  	[sflag:s3] =	ssyncadd.s32 $0xFFFFF000  }
0x35: {  	[hbm4b:s13+s2] =	stream.linear.scatter [tilespmem:s9], [sflag:$0x3], $0x1000, $0x38;
	[tilespmem:$0x2080] =	vst v63  }
0x36: {  	_ =	swait.ge [sflag:s3], $0x1000  }
0x37: {  	[sflag:s3] =	ssyncset.done $0x0  }
.LBB2_2:
0x38: {  	[sflag:s3] =	ssyncadd.s32 $0xFFFFF000  }
0x39: {  	_ =	sfence.sel $0x180000  }
0x3a: {  	[bflag:$0x0] =	sbarrier.arrive $0xFFFF  }
0x3b: {  	p0 =	sne.s32 s0, $0x0;
	_ =	strace $0x90000047  }
0x3c: {  	s0 =	sadd.s32 @!p0 $0x100000, s1;
	[bflag:$0x2] =	sbarrier.arrive $0xFFFF  }
0x3d: {  	[sflag:s0] =	ssyncadd.tile.s32 @!p0 $0x1;
	_ =	shalt  }
.Lfunc_end2:
_tile_overlayer_lowered:
.L_overlay_start_2:
0x3e: {  	(tag) =	ssettag $0x2  }
0x3f: {  	s0 =	rddreg [dreg:$0x0];
	s2 =	stileid.u32  }
0x40: {  	s1 =	rddreg [dreg:$0x1];
	p0 =	sne.s32 s2, $0x0  }
0x41: {  	s3 =	rddreg [dreg:$0x2];
	[bflag:$0x3] =	sbarrier.arrive $0xFFFF;
	s2 =	simm.s32 @!p0 $0x1C03  }
0x42: {  	[timem:s3], [sflag:s2] =	dma.local @!p0 [hbm:s0], s1  }
0x43: {  	s0 =	simm.s32 @!p0 $0x3  }
0x44: {  	_ =	swait.ge @!p0 [sflag:s0], s1  }
0x45: {  	s1 =	ssub.s32 @!p0 $0x0, s1;
	[sflag:s0] =	ssyncset.done @!p0 $0x0  }
0x46: {  	[sflag:s0] =	ssyncadd.s32 @!p0 s1  }
0x47: {  	[bflag:$0x3] =	sbarrier.arrive $0xFFFF  }
0x48: {  	_ =	shalt  }

</sc_bundles>
